<compile_context>
chip_gen: v7x
topology: tpu7x:2x2x1
jax: 0.10.2.dev20260603
libtpu: 0.0.44.dev20260713+nightly
codegen_flags: <defaults>
</compile_context>

<pallas_src>
import functools
import math

import jax
import jax.numpy as jnp
from jax import lax
from jax.experimental import pallas as pl
from jax.experimental.pallas import tpu as pltpu
from jax.experimental.pallas import tpu_sc as plsc

FEATS = 64
NPF = FEATS // 2
H = 64
W = 64
HW = H * W
B = 4
NUM_OFFSETS = 7
_TEMPERATURE = 10000.0
_SCALE = 2.0 * math.pi
_EPS = 1e-6

_NC = 2
_NS = 16
_L = 16
_NW = _NC * _NS
_CPW = FEATS // _NW


def _pe_table():
    c = jnp.arange(FEATS)[:, None]
    col = jnp.arange(HW)[None, :]
    y = col // W
    x = col - y * W
    is_y = c < NPF
    cm = jnp.where(is_y, c, c - NPF)
    k = cm // 2
    e = (jnp.where(is_y, y, x).astype(jnp.float32) + 1.0) * (
        _SCALE / (float(H) + _EPS)
    )
    inv_d = jnp.exp(k.astype(jnp.float32) * (-math.log(_TEMPERATURE) * 2.0 / NPF))
    arg = e * inv_d
    pe = jnp.where(cm % 2 == 0, jnp.sin(arg), jnp.cos(arg))
    return pe.reshape(FEATS * HW)


def _sc_body(offs_hbm, pos_hbm, pe_hbm, out_hbm, idx_v, off_v, pe_v, gsem, osem):
    wid = lax.axis_index("s") * _NC + lax.axis_index("c")
    c0 = wid * _CPW
    pltpu.sync_copy(pos_hbm, idx_v)
    gat = pltpu.async_copy(offs_hbm.at[idx_v], off_v, gsem)
    pltpu.sync_copy(pe_hbm.at[pl.ds(c0 * HW, _CPW * HW)], pe_v)
    gat.wait()
    for ch in range(_CPW):
        offv = off_v[0, pl.ds((c0 + ch) * _L, _L)]

        def body(j, carry, _ch=ch, _offv=offv):
            base = _ch * HW + j * _L
            pe_v[pl.ds(base, _L)] = pe_v[pl.ds(base, _L)] + _offv
            return carry

        lax.fori_loop(0, HW // _L, body, 0)
    copies = [
        pltpu.async_copy(
            pe_v, out_hbm.at[pl.ds((b * FEATS + c0) * HW, _CPW * HW)], osem
        )
        for b in range(B)
    ]
    for cp in copies:
        cp.wait()


def kernel(base_memposenc_offsets, imagelike_shape_bchw, position_offset):
    del imagelike_shape_bchw
    offs = base_memposenc_offsets.reshape(NUM_OFFSETS, FEATS)
    offs_exp = jnp.broadcast_to(
        offs[:, :, None], (NUM_OFFSETS, FEATS, _L)
    ).reshape(NUM_OFFSETS, FEATS * _L)
    pos1 = jnp.asarray(position_offset, jnp.int32).reshape(1)
    pe = _pe_table()
    run = functools.partial(
        pl.kernel,
        mesh=plsc.VectorSubcoreMesh(core_axis_name="c", subcore_axis_name="s"),
        out_type=jax.ShapeDtypeStruct((B * FEATS * HW,), jnp.float32),
        scratch_types=[
            pltpu.VMEM((1,), jnp.int32),
            pltpu.VMEM((1, FEATS * _L), jnp.float32),
            pltpu.VMEM((_CPW * HW,), jnp.float32),
            pltpu.SemaphoreType.DMA,
            pltpu.SemaphoreType.DMA,
        ],
    )(_sc_body)
    out = run(offs_exp, pos1, pe)
    return out.reshape(B, FEATS, H, W)

# --- scband reference (transcript-rebuilt; emitter-appended) ---
"""Pipeline reference for scband-fusion-position-offset-2877628088823 (READ-ONLY COPY).

The authoritative reference and input builder live on the scoring server;
editing this copy changes nothing except your own understanding.
"""

import math
import jax, jax.numpy as jnp
import numpy as np

FEATS = 64
NUM_OFFSETS = 7  # 1 + max_memory_history


def _posenc_sine(b, h, w, num_feats_total, temperature=10000.0):
    # DETR/SAMv2-style sine position embedding, normalized, output (b, num_feats_total, h, w)
    npf = num_feats_total // 2
    scale = 2.0 * math.pi
    eps = 1e-6
    ones = jnp.ones((b, h, w), dtype=jnp.float32)
    y_embed = jnp.cumsum(ones, axis=1)
    x_embed = jnp.cumsum(ones, axis=2)
    y_embed = y_embed / (y_embed[:, -1:, :] + eps) * scale
    x_embed = x_embed / (x_embed[:, :, -1:] + eps) * scale
    dim_t = jnp.arange(npf, dtype=jnp.float32)
    dim_t = temperature ** (2.0 * jnp.floor(dim_t / 2.0) / npf)
    pos_x = x_embed[..., None] / dim_t
    pos_y = y_embed[..., None] / dim_t
    pos_x = jnp.stack((jnp.sin(pos_x[..., 0::2]), jnp.cos(pos_x[..., 1::2])), axis=4).reshape(b, h, w, npf)
    pos_y = jnp.stack((jnp.sin(pos_y[..., 0::2]), jnp.cos(pos_y[..., 1::2])), axis=4).reshape(b, h, w, npf)
    return jnp.concatenate((pos_y, pos_x), axis=3).transpose(0, 3, 1, 2)


def setup_inputs(seed: int = 0) -> dict:
    key = jax.random.key(seed)
    # learned per-offset additive embeddings (num_pos_offsets, 1, 1, features)
    base_memposenc_offsets = jax.random.normal(key, (NUM_OFFSETS, 1, 1, FEATS), dtype=jnp.float32) * 0.02
    # image-like shape (b, c, h, w) for the memory feature map
    imagelike_shape_bchw = np.array([4, FEATS, 64, 64], dtype=np.int64)
    position_offset = 3
    return {
        "base_memposenc_offsets": base_memposenc_offsets,
        "imagelike_shape_bchw": imagelike_shape_bchw,
        "position_offset": position_offset,
    }


def reference(base_memposenc_offsets, imagelike_shape_bchw, position_offset):
    b, h, w = 4, 64, 64
    num_offsets = base_memposenc_offsets.shape[0]
    feats = base_memposenc_offsets.shape[-1]
    # base fixed positional encoding for (h, w), repeated for each offset
    base_pe = _posenc_sine(1, h, w, feats)                      # (1, C, h, w)
    cached = jnp.tile(base_pe, (num_offsets, 1, 1, 1))          # (num_offsets, C, h, w)
    # add learned per-offset embedding (permute (1,1,C) -> (C,1,1) broadcast)
    cached = cached + base_memposenc_offsets.transpose(0, 3, 1, 2)
    sel = jnp.take(cached, position_offset, axis=0)             # (C, h, w)
    shape_zero = 0.0 * jnp.sum(imagelike_shape_bchw).astype(jnp.float32)
    return jnp.tile(sel, (b, 1, 1, 1)) + shape_zero             # (b, C, h, w)

if __name__ == "__main__":
    import jax
    _d = setup_inputs()
    print(jax.jit(kernel)(*tuple(_d.values())))

</pallas_src>

<mosaic_0001>
#map = affine_map<(d0, d1) -> (0, 0)>
#map1 = affine_map<(d0, d1) -> (0)>
module attributes {stable_mosaic.version = 14 : i64} {
  func.func @_sc_body(%arg0: i32, %arg1: i32, %arg2: memref<7x1024xf32, #tpu.memory_space<hbm>>, %arg3: memref<1xi32, #tpu.memory_space<hbm>>, %arg4: memref<262144xf32, #tpu.memory_space<hbm>>, %arg5: memref<1048576xf32, #tpu.memory_space<hbm>>, %arg6: memref<1xi32, #tpu.memory_space<vmem>>, %arg7: memref<1x1024xf32, #tpu.memory_space<vmem>>, %arg8: memref<8192xf32, #tpu.memory_space<vmem>>, %arg9: memref<!tpu.dma_semaphore, #tpu.memory_space<semaphore_mem>>, %arg10: memref<!tpu.dma_semaphore, #tpu.memory_space<semaphore_mem>>) attributes {dimension_semantics = [#tpu.dimension_semantics<core_parallel>, #tpu.dimension_semantics<subcore_parallel>], iteration_bounds = array<i64: 2, 16>, scalar_prefetch = 0 : i64, scratch_operands = 5 : i64, tpu.core_type = #tpu.core_type<sc_vector_subcore>, window_params = [{transform_indices = #map}, {transform_indices = #map1}, {transform_indices = #map1}, {transform_indices = #map1}]} {
    %mul3A = arith.constant 2 : i32
    %mul3A_0 = arith.muli %arg1, %mul3A : i32
    %add3A = arith.addi %mul3A_0, %arg0 : i32
    %mul3A_1 = arith.constant 2 : i32
    %mul3A_2 = arith.muli %add3A, %mul3A_1 : i32
    "tpu.region"() ({
      %run_scoped3A = tpu.sem_alloc : memref<!tpu.dma_semaphore, #tpu.memory_space<semaphore_mem>>
      tpu.enqueue_dma source(%arg3 : memref<1xi32, #tpu.memory_space<hbm>>) target(%arg6 : memref<1xi32, #tpu.memory_space<vmem>>) target_semaphore(%run_scoped3A : memref<!tpu.dma_semaphore, #tpu.memory_space<semaphore_mem>>)
      tpu.wait_dma2 semaphore(%run_scoped3A : memref<!tpu.dma_semaphore, #tpu.memory_space<semaphore_mem>>) src(%arg3 : memref<1xi32, #tpu.memory_space<hbm>>) dst(%arg6 : memref<1xi32, #tpu.memory_space<vmem>>)
      tpu.yield
    }) : () -> ()
    %dma_start3A = arith.constant 0 : i32
    %dma_start3A_3 = arith.constant 0 : i32
    %dma_start3A_4 = tpu.memref_slice %arg2[%dma_start3A, %dma_start3A_3] : memref<7x1024xf32, #tpu.memory_space<hbm>> -> memref<7x1024xf32, #tpu.memory_space<hbm>>
    tpu.enqueue_indirect_dma source(%dma_start3A_4 : memref<7x1024xf32, #tpu.memory_space<hbm>>) target(%arg7 : memref<1x1024xf32, #tpu.memory_space<vmem>>) offsets(%arg6 : memref<1xi32, #tpu.memory_space<vmem>>) semaphore(%arg9 : memref<!tpu.dma_semaphore, #tpu.memory_space<semaphore_mem>>)
    %mul3A_5 = arith.constant 4096 : i32
    %mul3A_6 = arith.muli %mul3A_2, %mul3A_5 : i32
    "tpu.region"() ({
      %run_scoped3A = tpu.sem_alloc : memref<!tpu.dma_semaphore, #tpu.memory_space<semaphore_mem>>
      %dma_start3A_69 = tpu.memref_slice %arg4[%mul3A_6] : memref<262144xf32, #tpu.memory_space<hbm>> -> memref<8192xf32, #tpu.memory_space<hbm>>
      %dma_start3A_70 = tpu.memref_slice %arg4[%mul3A_6] : memref<262144xf32, #tpu.memory_space<hbm>> -> memref<8192xf32, #tpu.memory_space<hbm>>
      tpu.enqueue_dma source(%dma_start3A_70 : memref<8192xf32, #tpu.memory_space<hbm>>) target(%arg8 : memref<8192xf32, #tpu.memory_space<vmem>>) target_semaphore(%run_scoped3A : memref<!tpu.dma_semaphore, #tpu.memory_space<semaphore_mem>>)
      %dma_wait3A_71 = tpu.memref_slice %arg4[%mul3A_6] : memref<262144xf32, #tpu.memory_space<hbm>> -> memref<8192xf32, #tpu.memory_space<hbm>>
      %dma_wait3A_72 = tpu.memref_slice %arg4[%mul3A_6] : memref<262144xf32, #tpu.memory_space<hbm>> -> memref<8192xf32, #tpu.memory_space<hbm>>
      tpu.wait_dma2 semaphore(%run_scoped3A : memref<!tpu.dma_semaphore, #tpu.memory_space<semaphore_mem>>) src(%dma_wait3A_72 : memref<8192xf32, #tpu.memory_space<hbm>>) dst(%arg8 : memref<8192xf32, #tpu.memory_space<vmem>>)
      tpu.yield
    }) : () -> ()
    %dma_wait3A = arith.constant 0 : i32
    %dma_wait3A_7 = arith.constant 0 : i32
    %dma_wait3A_8 = tpu.memref_slice %arg2[%dma_wait3A, %dma_wait3A_7] : memref<7x1024xf32, #tpu.memory_space<hbm>> -> memref<7x1024xf32, #tpu.memory_space<hbm>>
    tpu.wait_indirect_dma semaphore(%arg9 : memref<!tpu.dma_semaphore, #tpu.memory_space<semaphore_mem>>) src(%dma_wait3A_8 : memref<7x1024xf32, #tpu.memory_space<hbm>>) dst(%arg7 : memref<1x1024xf32, #tpu.memory_space<vmem>>)
    %add3A_9 = arith.constant 0 : i32
    %add3A_10 = arith.addi %mul3A_2, %add3A_9 : i32
    %mul3A_11 = arith.constant 16 : i32
    %mul3A_12 = arith.muli %add3A_10, %mul3A_11 : i32
    %get3A = arith.constant 0 : i32
    %get3A_13 = arith.index_cast %get3A : i32 to index
    %get3A_14 = arith.index_cast %mul3A_12 : i32 to index
    %get3A_15 = tpu.vector_load %arg7[%get3A_13, %get3A_14] {strides = array<i32>} : memref<1x1024xf32, #tpu.memory_space<vmem>>, vector<1x16xf32>,
    %get3A_16 = vector.shape_cast %get3A_15 : vector<1x16xf32> to vector<16xf32>
    %scan3A = arith.constant 0 : i32
    %scan3A_17 = arith.constant 0 : i32
    %scan3A_18 = arith.constant 256 : i32
    %scan3A_19 = arith.addi %scan3A_17, %scan3A_18 : i32
    %scan3A_20 = arith.constant 1 : i32
    scf.for %scan3A_69 = %scan3A_17 to %scan3A_19 step %scan3A_20  : i32 {
      %mul3A_70 = arith.constant 16 : i32
      %mul3A_71 = arith.muli %scan3A_69, %mul3A_70 : i32
      %add3A_72 = arith.constant 0 : i32
      %add3A_73 = arith.addi %add3A_72, %mul3A_71 : i32
      %get3A_74 = arith.index_cast %add3A_73 : i32 to index
      %get3A_75 = tpu.vector_load %arg8[%get3A_74] {strides = array<i32>} : memref<8192xf32, #tpu.memory_space<vmem>>, vector<16xf32>,
      %get3A_76 = vector.shape_cast %get3A_75 : vector<16xf32> to vector<16xf32>
      %add3A_77 = arith.addf %get3A_76, %get3A_16 : vector<16xf32>
      %swap3A = arith.index_cast %add3A_73 : i32 to index
      %swap3A_78 = tpu.vector_load %arg8[%swap3A] {strides = array<i32>} : memref<8192xf32, #tpu.memory_space<vmem>>, vector<16xf32>,
      %swap3A_79 = vector.shape_cast %swap3A_78 : vector<16xf32> to vector<16xf32>
      %swap3A_80 = vector.shape_cast %add3A_77 : vector<16xf32> to vector<16xf32>
      tpu.vector_store %arg8[%swap3A], %swap3A_80 {strides = array<i32>} : memref<8192xf32, #tpu.memory_space<vmem>>, vector<16xf32>,
    }
    %scan3A_21 = arith.constant 256 : i32
    %add3A_22 = arith.constant 1 : i32
    %add3A_23 = arith.addi %mul3A_2, %add3A_22 : i32
    %mul3A_24 = arith.constant 16 : i32
    %mul3A_25 = arith.muli %add3A_23, %mul3A_24 : i32
    %get3A_26 = arith.constant 0 : i32
    %get3A_27 = arith.index_cast %get3A_26 : i32 to index
    %get3A_28 = arith.index_cast %mul3A_25 : i32 to index
    %get3A_29 = tpu.vector_load %arg7[%get3A_27, %get3A_28] {strides = array<i32>} : memref<1x1024xf32, #tpu.memory_space<vmem>>, vector<1x16xf32>,
    %get3A_30 = vector.shape_cast %get3A_29 : vector<1x16xf32> to vector<16xf32>
    %scan3A_31 = arith.constant 0 : i32
    %scan3A_32 = arith.constant 0 : i32
    %scan3A_33 = arith.constant 256 : i32
    %scan3A_34 = arith.addi %scan3A_32, %scan3A_33 : i32
    %scan3A_35 = arith.constant 1 : i32
    scf.for %scan3A_69 = %scan3A_32 to %scan3A_34 step %scan3A_35  : i32 {
      %mul3A_70 = arith.constant 16 : i32
      %mul3A_71 = arith.muli %scan3A_69, %mul3A_70 : i32
      %add3A_72 = arith.constant 4096 : i32
      %add3A_73 = arith.addi %add3A_72, %mul3A_71 : i32
      %get3A_74 = arith.index_cast %add3A_73 : i32 to index
      %get3A_75 = tpu.vector_load %arg8[%get3A_74] {strides = array<i32>} : memref<8192xf32, #tpu.memory_space<vmem>>, vector<16xf32>,
      %get3A_76 = vector.shape_cast %get3A_75 : vector<16xf32> to vector<16xf32>
      %add3A_77 = arith.addf %get3A_76, %get3A_30 : vector<16xf32>
      %swap3A = arith.index_cast %add3A_73 : i32 to index
      %swap3A_78 = tpu.vector_load %arg8[%swap3A] {strides = array<i32>} : memref<8192xf32, #tpu.memory_space<vmem>>, vector<16xf32>,
      %swap3A_79 = vector.shape_cast %swap3A_78 : vector<16xf32> to vector<16xf32>
      %swap3A_80 = vector.shape_cast %add3A_77 : vector<16xf32> to vector<16xf32>
      tpu.vector_store %arg8[%swap3A], %swap3A_80 {strides = array<i32>} : memref<8192xf32, #tpu.memory_space<vmem>>, vector<16xf32>,
    }
    %scan3A_36 = arith.constant 256 : i32
    %add3A_37 = arith.constant 0 : i32
    %add3A_38 = arith.addi %add3A_37, %mul3A_2 : i32
    %mul3A_39 = arith.constant 4096 : i32
    %mul3A_40 = arith.muli %add3A_38, %mul3A_39 : i32
    %dma_start3A_41 = tpu.memref_slice %arg5[%mul3A_40] : memref<1048576xf32, #tpu.memory_space<hbm>> -> memref<8192xf32, #tpu.memory_space<hbm>>
    %dma_start3A_42 = tpu.memref_slice %arg5[%mul3A_40] : memref<1048576xf32, #tpu.memory_space<hbm>> -> memref<8192xf32, #tpu.memory_space<hbm>>
    tpu.enqueue_dma source(%arg8 : memref<8192xf32, #tpu.memory_space<vmem>>) target(%dma_start3A_42 : memref<8192xf32, #tpu.memory_space<hbm>>) target_semaphore(%arg10 : memref<!tpu.dma_semaphore, #tpu.memory_space<semaphore_mem>>)
    %add3A_43 = arith.constant 64 : i32
    %add3A_44 = arith.addi %add3A_43, %mul3A_2 : i32
    %mul3A_45 = arith.constant 4096 : i32
    %mul3A_46 = arith.muli %add3A_44, %mul3A_45 : i32
    %dma_start3A_47 = tpu.memref_slice %arg5[%mul3A_46] : memref<1048576xf32, #tpu.memory_space<hbm>> -> memref<8192xf32, #tpu.memory_space<hbm>>
    %dma_start3A_48 = tpu.memref_slice %arg5[%mul3A_46] : memref<1048576xf32, #tpu.memory_space<hbm>> -> memref<8192xf32, #tpu.memory_space<hbm>>
    tpu.enqueue_dma source(%arg8 : memref<8192xf32, #tpu.memory_space<vmem>>) target(%dma_start3A_48 : memref<8192xf32, #tpu.memory_space<hbm>>) target_semaphore(%arg10 : memref<!tpu.dma_semaphore, #tpu.memory_space<semaphore_mem>>)
    %add3A_49 = arith.constant 128 : i32
    %add3A_50 = arith.addi %add3A_49, %mul3A_2 : i32
    %mul3A_51 = arith.constant 4096 : i32
    %mul3A_52 = arith.muli %add3A_50, %mul3A_51 : i32
    %dma_start3A_53 = tpu.memref_slice %arg5[%mul3A_52] : memref<1048576xf32, #tpu.memory_space<hbm>> -> memref<8192xf32, #tpu.memory_space<hbm>>
    %dma_start3A_54 = tpu.memref_slice %arg5[%mul3A_52] : memref<1048576xf32, #tpu.memory_space<hbm>> -> memref<8192xf32, #tpu.memory_space<hbm>>
    tpu.enqueue_dma source(%arg8 : memref<8192xf32, #tpu.memory_space<vmem>>) target(%dma_start3A_54 : memref<8192xf32, #tpu.memory_space<hbm>>) target_semaphore(%arg10 : memref<!tpu.dma_semaphore, #tpu.memory_space<semaphore_mem>>)
    %add3A_55 = arith.constant 192 : i32
    %add3A_56 = arith.addi %add3A_55, %mul3A_2 : i32
    %mul3A_57 = arith.constant 4096 : i32
    %mul3A_58 = arith.muli %add3A_56, %mul3A_57 : i32
    %dma_start3A_59 = tpu.memref_slice %arg5[%mul3A_58] : memref<1048576xf32, #tpu.memory_space<hbm>> -> memref<8192xf32, #tpu.memory_space<hbm>>
    %dma_start3A_60 = tpu.memref_slice %arg5[%mul3A_58] : memref<1048576xf32, #tpu.memory_space<hbm>> -> memref<8192xf32, #tpu.memory_space<hbm>>
    tpu.enqueue_dma source(%arg8 : memref<8192xf32, #tpu.memory_space<vmem>>) target(%dma_start3A_60 : memref<8192xf32, #tpu.memory_space<hbm>>) target_semaphore(%arg10 : memref<!tpu.dma_semaphore, #tpu.memory_space<semaphore_mem>>)
    %dma_wait3A_61 = tpu.memref_slice %arg5[%mul3A_40] : memref<1048576xf32, #tpu.memory_space<hbm>> -> memref<8192xf32, #tpu.memory_space<hbm>>
    %dma_wait3A_62 = tpu.memref_slice %arg5[%mul3A_40] : memref<1048576xf32, #tpu.memory_space<hbm>> -> memref<8192xf32, #tpu.memory_space<hbm>>
    tpu.wait_dma2 semaphore(%arg10 : memref<!tpu.dma_semaphore, #tpu.memory_space<semaphore_mem>>) src(%arg8 : memref<8192xf32, #tpu.memory_space<vmem>>) dst(%dma_wait3A_62 : memref<8192xf32, #tpu.memory_space<hbm>>)
    %dma_wait3A_63 = tpu.memref_slice %arg5[%mul3A_46] : memref<1048576xf32, #tpu.memory_space<hbm>> -> memref<8192xf32, #tpu.memory_space<hbm>>
    %dma_wait3A_64 = tpu.memref_slice %arg5[%mul3A_46] : memref<1048576xf32, #tpu.memory_space<hbm>> -> memref<8192xf32, #tpu.memory_space<hbm>>
    tpu.wait_dma2 semaphore(%arg10 : memref<!tpu.dma_semaphore, #tpu.memory_space<semaphore_mem>>) src(%arg8 : memref<8192xf32, #tpu.memory_space<vmem>>) dst(%dma_wait3A_64 : memref<8192xf32, #tpu.memory_space<hbm>>)
    %dma_wait3A_65 = tpu.memref_slice %arg5[%mul3A_52] : memref<1048576xf32, #tpu.memory_space<hbm>> -> memref<8192xf32, #tpu.memory_space<hbm>>
    %dma_wait3A_66 = tpu.memref_slice %arg5[%mul3A_52] : memref<1048576xf32, #tpu.memory_space<hbm>> -> memref<8192xf32, #tpu.memory_space<hbm>>
    tpu.wait_dma2 semaphore(%arg10 : memref<!tpu.dma_semaphore, #tpu.memory_space<semaphore_mem>>) src(%arg8 : memref<8192xf32, #tpu.memory_space<vmem>>) dst(%dma_wait3A_66 : memref<8192xf32, #tpu.memory_space<hbm>>)
    %dma_wait3A_67 = tpu.memref_slice %arg5[%mul3A_58] : memref<1048576xf32, #tpu.memory_space<hbm>> -> memref<8192xf32, #tpu.memory_space<hbm>>
    %dma_wait3A_68 = tpu.memref_slice %arg5[%mul3A_58] : memref<1048576xf32, #tpu.memory_space<hbm>> -> memref<8192xf32, #tpu.memory_space<hbm>>
    tpu.wait_dma2 semaphore(%arg10 : memref<!tpu.dma_semaphore, #tpu.memory_space<semaphore_mem>>) src(%arg8 : memref<8192xf32, #tpu.memory_space<vmem>>) dst(%dma_wait3A_68 : memref<8192xf32, #tpu.memory_space<hbm>>)
    return
  }
}

</mosaic_0001>

<sc_bundles>
// kernel: kernel.3.cloned.1.call-start
scs
__scs_entry_jumppad:
0x0: {  	(pc) =	sbr.rel $0x88, $3  }
0x1: {  	(tag) =	ssettag $0x0;
	lr =	simm.s32 $0x1  }
0x2: {  	[smem:$0x3F9F] =	sst lr;
	_ =	strace $0xD0000000  }
0x3: {  	_ = 	snop  }
0x4: {  	_ = 	snop  }
0x5: {  	_ = 	snop  }
0x6: {  	_ = 	snop  }
0x7: {  	_ = 	snop  }
__scs_overlays_trampoline_lowered:
0x8: {  	[smem:$0x3FAE] =	sst s0  }
0x9: {  	[smem:$0x3FAF] =	sst s1  }
0xa: {  	[smem:$0x3FB0] =	sst s2  }
0xb: {  	[smem:$0x3FB1] =	sst s3  }
0xc: {  	[smem:$0x3FB2] =	sst s4  }
0xd: {  	[smem:$0x3FB3] =	sst s5  }
0xe: {  	[smem:$0x3FB4] =	sst s6  }
0xf: {  	[smem:$0x3FB5] =	sst s7  }
0x10: {  	[smem:$0x3FB6] =	sst s8  }
0x11: {  	[smem:$0x3FB7] =	sst s9;
	s0 =	simm.s32 @!p0 $0x0  }
0x12: {  	s1 =	sld [smem:$0x3F9D];
	s0 =	simm.s32 @p0 $0x1  }
0x13: {  	[smem:$0x3FB8] =	sst s0;
	s0 =	simm.s32 @!p1 $0x0  }
0x14: {  	s2 =	sld [smem:$0x3F9C];
	s0 =	simm.s32 @p1 $0x1  }
0x15: {  	[smem:$0x3FB9] =	sst s0;
	s0 =	simm.s32 @!p2 $0x0  }
0x16: {  	s3 =	sld [smem:$0x3FDB];
	s0 =	simm.s32 @p2 $0x1  }
0x17: {  	s4 =	simm.s32 $0x1BF5;
	[smem:$0x3FBB] =	sst s0  }
0x18: {  	s0 =	sld [smem:$0x3F9E];
	_ =	swait.ge [sflag:s4], $0x0  }
0x19: {  	s7 =	sld [smem:$0x3F9F]  }
0x1a: {  	s8 =	sadd.s32 $0xFFFFE003, lr  }
0x1b: {  	s9 =	sadd.s32 $0xFFFFFEF7, lr;
	s5 =	simm.s32 $0xFFFFFFFF;
	p2 =	slt.u32 s8, $0xFFFFF086  }
0x1c: {  	p1 =	slt.u32 s9, $0xF7A;
	s5 =	simm.s32 @!p2 $0x0  }
0x1d: {  	s5 =	simm.s32 @p1 $0x1;
	p0 =	seq.s32 s7, s2  }
0x1e: {  	s7 =	smul.u32 @!p0 $0xF7A, s2;
	p2 =	seq.s32 @!p0 s5, $0x0  }
0x1f: {  	s9 =	smul.u32 $0xF7A, s1;
	s8 =	simm.s32 @!p0 $0x1BF5;
	p2 =	por !p2, p0  }
0x20: {  	[sflag:s8] =	ssyncset.s32 @!p0 $0xFFFFF086;
	s6 =	sadd.s32 @!p0 s3, s7;
	s7 =	simm.s32 @!p0 $0x108  }
0x21: {  	s3 =	sadd.s32 s3, s9;
	s6 =	sadd.s32 @!p0 $0x88, s6;
	s7 =	simm.s32 @p2 $0x1082  }
0x22: {  	[simem:s7], [sflag:s8] =	dma.local @!p0 [hbm:s6], $0xF7A  }
0x23: {  	s9 =	sor.u32 $0xD0000000, s2;
	s6 =	simm.s32 $0x108;
	_ =	swait.ge @!p0 [sflag:s8], $0x0  }
0x24: {  	s3 =	sadd.s32 $0x88, s3;
	s6 =	simm.s32 @!p1 $0x1082;
	[sflag:s4] =	ssyncset.s32 $0xFFFFF086  }
0x25: {  	[simem:s6], [sflag:s4] =	dma.local [hbm:s3], $0xF7A  }
0x26: {  	[smem:$0x3F9F] =	sst s1;
	(tag) =	ssettag s2;
	_ =	strace s9  }
0x27: {  	s1 =	sld [smem:$0x3FAF]  }
0x28: {  	s2 =	sld [smem:$0x3FB0]  }
0x29: {  	s4 =	sld [smem:$0x3FB2]  }
0x2a: {  	p0 =	seq.s32 s5, $0x0;
	s5 =	sld [smem:$0x3FB3]  }
0x2b: {  	s6 =	sld [smem:$0x3FB4]  }
0x2c: {  	s7 =	sld [smem:$0x3FB5]  }
0x2d: {  	s3 =	simm.s32 $0x108;
	s8 =	sld [smem:$0x3FB6]  }
0x2e: {  	s3 =	simm.s32 @!p0 $0x1082;
	s9 =	sld [smem:$0x3FB7]  }
0x2f: {  	lr =	sadd.s32 s0, s3;
	s0 =	sld [smem:$0x3FAE]  }
0x30: {  	s3 =	sld [smem:$0x3FB1]  }
0x31: {  	[smem:$0x3FBA] =	sst s10  }
0x32: {  	s10 =	sld [smem:$0x3FB8];
	_ =	sdelay $0x3  }
0x33: {  	p0 =	seq.s32 s10, $0x1;
	s10 =	sld [smem:$0x3FBA];
	_ =	sdelay $0x3  }
0x34: {  	[smem:$0x3FBA] =	sst s10  }
0x35: {  	s10 =	sld [smem:$0x3FB9];
	_ =	sdelay $0x3  }
0x36: {  	p1 =	seq.s32 s10, $0x1;
	s10 =	sld [smem:$0x3FBA];
	_ =	sdelay $0x3  }
0x37: {  	[smem:$0x3FBA] =	sst s10  }
0x38: {  	s10 =	sld [smem:$0x3FBB]  }
0x39: {  	_ = 	snop;
	(pc) =	sbr.ind lr, $3  }
0x3a: {  	_ = 	snop  }
0x3b: {  	_ = 	snop  }
0x3c: {  	p2 =	seq.s32 s10, $0x1;
	s10 =	sld [smem:$0x3FBA]  }
0x3d: {  	_ =	shalt  }
0x3e: {  	_ =	shalt  }
0x3f: {  	_ =	shalt  }
0x40: {  	_ =	shalt  }
0x41: {  	_ =	shalt  }
0x42: {  	_ =	shalt  }
0x43: {  	_ =	shalt  }
0x44: {  	_ =	shalt  }
0x45: {  	_ =	shalt  }
0x46: {  	_ =	shalt  }
0x47: {  	_ =	shalt  }
0x48: {  	_ =	shalt  }
0x49: {  	_ =	shalt  }
0x4a: {  	_ =	shalt  }
0x4b: {  	_ =	shalt  }
0x4c: {  	_ =	shalt  }
0x4d: {  	_ =	shalt  }
0x4e: {  	_ =	shalt  }
0x4f: {  	_ =	shalt  }
0x50: {  	_ =	shalt  }
0x51: {  	_ =	shalt  }
0x52: {  	_ =	shalt  }
0x53: {  	_ =	shalt  }
0x54: {  	_ =	shalt  }
0x55: {  	_ =	shalt  }
0x56: {  	_ =	shalt  }
0x57: {  	_ =	shalt  }
0x58: {  	_ =	shalt  }
0x59: {  	_ =	shalt  }
0x5a: {  	_ =	shalt  }
0x5b: {  	_ =	shalt  }
0x5c: {  	_ =	shalt  }
0x5d: {  	_ =	shalt  }
0x5e: {  	_ =	shalt  }
0x5f: {  	_ =	shalt  }
0x60: {  	_ =	shalt  }
0x61: {  	_ =	shalt  }
0x62: {  	_ =	shalt  }
0x63: {  	_ =	shalt  }
0x64: {  	_ =	shalt  }
0x65: {  	_ =	shalt  }
0x66: {  	_ =	shalt  }
0x67: {  	_ =	shalt  }
0x68: {  	_ =	shalt  }
0x69: {  	_ =	shalt  }
0x6a: {  	_ =	shalt  }
0x6b: {  	_ =	shalt  }
0x6c: {  	_ =	shalt  }
0x6d: {  	_ =	shalt  }
0x6e: {  	_ =	shalt  }
0x6f: {  	_ =	shalt  }
0x70: {  	_ =	shalt  }
0x71: {  	_ =	shalt  }
0x72: {  	_ =	shalt  }
0x73: {  	_ =	shalt  }
0x74: {  	_ =	shalt  }
0x75: {  	_ =	shalt  }
0x76: {  	_ =	shalt  }
0x77: {  	_ =	shalt  }
0x78: {  	_ =	shalt  }
0x79: {  	_ =	shalt  }
0x7a: {  	_ =	shalt  }
0x7b: {  	_ =	shalt  }
0x7c: {  	_ =	shalt  }
0x7d: {  	_ =	shalt  }
0x7e: {  	_ =	shalt  }
0x7f: {  	_ =	shalt  }
0x80: {  	_ =	shalt  }
0x81: {  	_ =	shalt  }
0x82: {  	_ =	shalt  }
0x83: {  	_ =	shalt  }
0x84: {  	_ =	shalt  }
0x85: {  	_ =	shalt  }
0x86: {  	_ =	shalt  }
0x87: {  	_ =	shalt  }
.Lfunc_end0:
.L_simem_size_0:
called_computation_lowered:
.L_overlay_start_0:
0x88: {  	s2 =	sld [smem:$0x3FD9]  }
0x89: {  	s3 =	sld [smem:$0x3FFE];
	_ =	sdelay $0x1  }
0x8a: {  	s1 =	srdreg.scid  }
0x8b: {  	s0 =	sand.u32 $0x1, s1  }
0x8c: {  	s17 =	sshll.u32 s0, $0xA;
	s2 =	sadd.s32 s3, s2  }
0x8d: {  	s2 =	sadd.s32 s2, s17  }
0x8e: {  	[smem:$0x3FC6] =	sst s2  }
0x8f: {  	_ = 	snop  }
0x90: {  	s2 =	sld [smem:$0x3FC8]  }
0x91: {  	s18 =	sld [smem:$0x3FD0];
	(tm) =	ssettm $0x1  }
0x92: {  	s4 =	sld [smem:$0x3FFB];
	_ =	sdelay $0x3  }
0x93: {  	_ =	strace s4  }
0x94: {  	s4 =	sld [smem:$0x3FFC];
	_ =	sdelay $0x3  }
0x95: {  	_ =	strace s4  }
0x96: {  	s4 =	sld [smem:$0x3FFD];
	_ =	sdelay $0x3  }
0x97: {  	_ =	strace s4  }
0x98: {  	_ =	strace $0x8FFFFFFF  }
0x99: {  	s19 =	sld [smem:$0x3FDB];
	_ =	sdelay $0x1  }
0x9a: {  	s5 =	simm.s32 $_scs_section_size  }
0x9b: {  	s6 =	simm.s32 $_size__tile_overlayer_lowered;
	s7 =	simm.s32 $_tile_overlayer_lowered  }
0x9c: {  	s22 =	simm.s32 $0x1BFF;
	s21 =	sshll.u32 s7, $0x1;
	s4 =	sadd.s32 s5, s19  }
0x9d: {  	s8 =	simm.s32 $0x0;
	s20 =	sshll.u32 s6, $0x1;
	s6 =	sadd.s32 s21, s4  }
0x9e: {  	[timem:s8], [sflag:s22] =	dma.local [hbm:s6], s20  }
0x9f: {  	_ =	swait.ge [sflag:s22], s20  }
0xa0: {  	s5 =	ssub.s32 $0x0, s20;
	[sflag:s22] =	ssyncset.done $0x0  }
0xa1: {  	[sflag:s22] =	ssyncadd.s32 s5;
	_ =	sdelay $0x1  }
0xa2: {  	s23 =	simm.s32 $0x1B8B  }
0xa3: {  	_ =	swait.ge [sflag:s23], $0x1  }
0xa4: {  	[sflag:s23] =	ssyncset.done $0x0  }
0xa5: {  	s25 =	simm.s32 $0x1B8E;
	s24 =	sld [smem:$0x3FFE];
	[sflag:s23] =	ssyncadd.s32 $0xFFFFFFFF  }
0xa6: {  	s26 =	simm.s32 $execute0_lowered;
	[smem:$0x3FD2] =	sst s25  }
0xa7: {  	s6 =	sshll.u32 s26, $0x1;
	_ =	strace $0x80000046;
	[dreg:$0x1] =	wrdreg $0xFFFFFFFF  }
0xa8: {  	s28 =	simm.s32 $_size_execute0_lowered;
	s4 =	sadd.s32 s4, s6;
	[dreg:$0x0] =	wrdreg $0x0  }
0xa9: {  	s6 =	sshll.u32 s28, $0x1;
	[dreg:$0x2] =	wrdreg s4  }
0xaa: {  	[dreg:$0x3] =	wrdreg s6  }
0xab: {  	[dreg:$0x4] =	wrdreg $0xC0  }
0xac: {  	_ =	task [dreg:s8], $0x5FFFF  }
0xad: {  	[dreg:$0x1] =	wrdreg $0xFFFFFFFF  }
0xae: {  	[dreg:$0x0] =	wrdreg $0x60  }
0xaf: {  	[dreg:$0x2] =	wrdreg s24  }
0xb0: {  	[dreg:$0x3] =	wrdreg s2  }
0xb1: {  	[dreg:$0x4] =	wrdreg s18  }
0xb2: {  	[dreg:$0x5] =	wrdreg $0x9  }
0xb3: {  	_ =	task.clear_ibuf [dreg:s8], $0x6FFFF;
	_ =	strace $0x90000046  }
0xb4: {  	s29 =	simm.s32 $0x9;
	_ =	strace $0x80000048  }
0xb5: {  	_ =	swait.ge [sflag:s29], $0x1  }
0xb6: {  	[sflag:s29] =	ssyncadd.s32 $0xFFFFFFFF  }
0xb7: {  	_ =	strace $0x90000048  }
0xb8: {  	_ =	sfence  }
0xb9: {  	s30 =	sld [smem:$0x0];
	_ =	sdelay $0x2  }
0xba: {  	s31 =	sshll.u32 s1, $0xD;
	s1 =	sshrl.u32 s1, $0x2  }
0xbb: {  	s3 =	sand.u32 $0x4000, s31;
	s1 =	sadd.s32 s1, s30  }
0xbc: {  	s0 =	sor.u32 s3, s0;
	s1 =	sshll.u32 s1, $0x11  }
0xbd: {  	s0 =	sor.u32 s1, s0  }
0xbe: {  	s0 =	sadd.s32 $0x8F2B, s0  }
0xbf: {  	[sflag:s0] =	ssyncadd.remote.s32 $0x1  }
0xc0: {  	_ =	sfence.sel $0xFFFF  }
0xc1: {  	[dreg:$0x0] =	wrdreg $0xFFFFFFFF;
	(pc) =	sbr.abs _section_cstart, $3  }
0xc2: {  	[dreg:$0x1] =	wrdreg $0xFFFFFFFF  }
0xc3: {  	_ =	task.clear_ibuf [dreg:s8], $0x2FFFF;
	_ =	strace $0x9FFFFFFF  }
0xc4: {  	(tm) =	ssettm $0x7FFFFFFF  }
0xc5: {  	_ =	shalt  }
tec
execute0_lowered:
.L_overlay_start_1:
0x0: {  	(tag) =	ssettag $0x1  }
0x1: {  	s5 =	rddreg [dreg:$0x0]  }
0x2: {  	s1 =	rddreg [dreg:$0x1]  }
0x3: {  	s6 =	rddreg [dreg:$0x2]  }
0x4: {  	s0 =	rddreg [dreg:$0x3]  }
0x5: {  	s3 =	simm.s32 $0x0;
	s4 =	srdreg.scid;
	s2 =	stileid.u32  }
0x6: {  	s13 =	simm.s32 $0x80;
	s14 =	simm.s32 $0x480;
	s15 =	simm.s32 $0x1  }
0x7: {  	s16 =	simm.s32 $0x2;
	s4 =	sand.u32 $0x1, s4;
	s7 =	sshll.u32 s2, $0x1  }
0x8: {  	s17 =	simm.s32 $0x0;
	[smem:$0x7FF] =	sst s3;
	s7 =	sor.u32 s4, s7  }
0x9: {  	_ =	strace $0x80000047;
	s8 =	ssub.s32 $0x2, s4;
	s9 =	sshll.u32 s7, $0xA  }
0xa: {  	s4 =	sadd.s32 $0x800, s5;
	s10 =	sshrl.u32 s8, $0x1;
	s11 =	sadd.s32 s9, s5  }
0xb: {  	s12 =	ssub.s32 s8, s10;
	s5 =	sadd.s32 s6, s9;
	s6 =	sshll.u32 s7, $0x5  }
0xc: {  	v1 =	vlaneseq.u32;
	s7 =	sadd.s32 $0xC00, s11;
	s8 =	sadd.s32 $0x8C00, s11;
	s9 =	sadd.s32 $0x10C00, s11  }
0xd: {  	v0 =	vimm.s32 $0x0;
	vm0 =	vmmov $0xff;
	v1 =	vmul.u32 $0x8, v1;
	s10 =	sadd.s32 $0x18C00, s11;
	s11 =	smax.u32 s12, $0x1;
	s12 =	simm.s32 $0x3  }
.LBB2_1:
0xe: {  	[tilespmem:s3], [sflag:$0x3] =	stream.linear.gather [hbm4b:s1+s3], $0x80, $0x38;
	[tilespmem:$0x2480] =	vst v63  }
0xf: {  	_ =	swait.ge [sflag:s12], $0x80  }
0x10: {  	[sflag:s12] =	ssyncset.done $0x0  }
0x11: {  	[sflag:s12] =	ssyncadd.s32 $0xFFFFFF80  }
0x12: {  	v2 =	vld.msk [tilespmem:$0x0], $0x1;
	_ =	sdelay $0x4  }
0x13: {  	v3 =	vshll.u32 v2, $0x3  }
0x14: {  	v2 =	vand.u32 $0x7, v2;
	v3 =	vand.u32 $0xFFFFFFC0, v3  }
0x15: {  	v2 =	vor.u32 v2, v3  }
0x16: {  	v2 =	vperm.xlane v2, v0;
	_ =	sdelay $0x1  }
0x17: {  	v2 =	vadd.s32 v1, v2;
	_ =	sdelay $0x4  }
0x18: {  	[tilespmem:s13], [sflag:$0x1] =	stream.indirect_vreg.gather [hbm4b:s4+s3], $0x80, v2, vm0, $0xb8;
	[tilespmem:$0x2480] =	vst v63  }
0x19: {  	_ = 	snop  }
0x1a: {  	[tilespmem:s14], [sflag:$0x3] =	stream.linear.gather [hbm4b:s5+s3], $0x2000, $0x38;
	[tilespmem:$0x2480] =	vst v63  }
0x1b: {  	_ =	swait.ge [sflag:s12], $0x2000  }
0x1c: {  	[sflag:s12] =	ssyncset.done $0x0  }
0x1d: {  	[sflag:s12] =	ssyncadd.s32 $0xFFFFE000  }
0x1e: {  	_ =	swait.ge [sflag:s15], $0x400  }
0x1f: {  	[sflag:s15] =	ssyncset.done $0x0  }
0x20: {  	[sflag:s15] =	ssyncadd.s32 $0xFFFFFC00  }
0x21: {  	s18 =	simm.s32 $0x0;
	s19 =	simm.s32 $0x40;
	v2 =	vld [tilespmem:s6+$0x80]  }
.LBB2_2:
0x22: {  	p0 =	sne.s32 s19, $0x3FC0;
	v3 =	vld [tilespmem:s18+$0x480];
	_ =	sdelay $0x2  }
.Ltmp0:
0x23: {  	(pc) =	sbr.rel @p0 .LBB2_2-.Ltmp0, $3  }
0x24: {  	_ = 	snop  }
0x25: {  	v3 =	vadd.f32 v3, v2;
	_ =	sdelay $0x1  }
0x26: {  	[tilespmem:s18+$0x480] =	vst v3;
	s18 =	sshra.s32 s19, $0x2;
	s19 =	sadd.s32 $0x40, s19  }
0x27: {  	v3 =	vld [tilespmem:s18+$0x480];
	_ =	sdelay $0x4  }
0x28: {  	v2 =	vadd.f32 v3, v2;
	_ =	sdelay $0x1  }
0x29: {  	s31 =	simm.s32 $0x0;
	[tilespmem:s18+$0x480] =	vst v2  }
0x2a: {  	s19 =	simm.s32 $0x10;
	s18 =	sand.u32 $0xFF0, s31;
	v2 =	vld [tilespmem:s6+$0x90]  }
.LBB2_4:
0x2b: {  	p0 =	sne.s32 s19, $0xFF0;
	v3 =	vld [tilespmem:s18+$0x1480];
	_ =	sdelay $0x2  }
.Ltmp1:
0x2c: {  	(pc) =	sbr.rel @p0 .LBB2_4-.Ltmp1, $3  }
0x2d: {  	_ = 	snop  }
0x2e: {  	v3 =	vadd.f32 v3, v2;
	_ =	sdelay $0x1  }
0x2f: {  	[tilespmem:s18+$0x1480] =	vst v3;
	s18 =	sand.u32 $0xFF0, s19;
	s19 =	sadd.s32 $0x10, s19  }
0x30: {  	v3 =	vld [tilespmem:s18+$0x1480];
	_ =	sdelay $0x4  }
0x31: {  	v2 =	vadd.f32 v3, v2;
	_ =	sdelay $0x1  }
0x32: {  	[tilespmem:s18+$0x1480] =	vst v2  }
0x33: {  	[hbm4b:s7+s3] =	stream.linear.scatter [tilespmem:s14], [sflag:$0x2], $0x2000, $0x38;
	[tilespmem:$0x2480] =	vst v63  }
0x34: {  	_ = 	snop  }
0x35: {  	[hbm4b:s8+s3] =	stream.linear.scatter [tilespmem:s14], [sflag:$0x2], $0x2000, $0x38;
	[tilespmem:$0x2480] =	vst v63  }
0x36: {  	_ = 	snop  }
0x37: {  	[hbm4b:s9+s3] =	stream.linear.scatter [tilespmem:s14], [sflag:$0x2], $0x2000, $0x38;
	[tilespmem:$0x2480] =	vst v63  }
0x38: {  	_ = 	snop  }
0x39: {  	[hbm4b:s10+s3] =	stream.linear.scatter [tilespmem:s14], [sflag:$0x2], $0x2000, $0x38;
	[tilespmem:$0x2480] =	vst v63  }
0x3a: {  	_ =	swait.ge [sflag:s16], $0x2000  }
0x3b: {  	[sflag:s16] =	ssyncset.done $0x0  }
0x3c: {  	[sflag:s16] =	ssyncadd.s32 $0xFFFFE000  }
0x3d: {  	_ =	swait.ge [sflag:s16], $0x2000  }
0x3e: {  	[sflag:s16] =	ssyncset.done $0x0  }
0x3f: {  	s17 =	sadd.s32 $0x1, s17;
	[sflag:s16] =	ssyncadd.s32 $0xFFFFE000  }
0x40: {  	p0 =	sne.s32 s17, s11;
	_ =	swait.ge [sflag:s16], $0x2000  }
.Ltmp2:
0x41: {  	[sflag:s16] =	ssyncset.done $0x0;
	(pc) =	sbr.rel @p0 .LBB2_1-.Ltmp2, $4  }
0x42: {  	[sflag:s16] =	ssyncadd.s32 $0xFFFFE000  }
0x43: {  	_ =	swait.ge [sflag:s16], $0x2000  }
0x44: {  	[sflag:s16] =	ssyncset.done $0x0  }
0x45: {  	[sflag:s16] =	ssyncadd.s32 $0xFFFFE000  }
0x46: {  	_ =	sfence.sel $0x180000  }
0x47: {  	[bflag:$0x0] =	sbarrier.arrive $0xFFFF  }
0x48: {  	p0 =	sne.s32 s2, $0x0;
	_ =	strace $0x90000047  }
0x49: {  	s0 =	sadd.s32 @!p0 $0x100000, s0;
	[bflag:$0x2] =	sbarrier.arrive $0xFFFF  }
0x4a: {  	[sflag:s0] =	ssyncadd.tile.s32 @!p0 $0x1;
	_ =	shalt  }
.Lfunc_end2:
_tile_overlayer_lowered:
.L_overlay_start_2:
0x4b: {  	(tag) =	ssettag $0x2  }
0x4c: {  	s0 =	rddreg [dreg:$0x0];
	s2 =	stileid.u32  }
0x4d: {  	s1 =	rddreg [dreg:$0x1];
	p0 =	sne.s32 s2, $0x0  }
0x4e: {  	s3 =	rddreg [dreg:$0x2];
	[bflag:$0x3] =	sbarrier.arrive $0xFFFF;
	s2 =	simm.s32 @!p0 $0x1C03  }
0x4f: {  	[timem:s3], [sflag:s2] =	dma.local @!p0 [hbm:s0], s1  }
0x50: {  	s0 =	simm.s32 @!p0 $0x3  }
0x51: {  	_ =	swait.ge @!p0 [sflag:s0], s1  }
0x52: {  	s1 =	ssub.s32 @!p0 $0x0, s1;
	[sflag:s0] =	ssyncset.done @!p0 $0x0  }
0x53: {  	[sflag:s0] =	ssyncadd.s32 @!p0 s1  }
0x54: {  	[bflag:$0x3] =	sbarrier.arrive $0xFFFF  }
0x55: {  	_ =	shalt  }

</sc_bundles>
